<compile_context>
chip_gen: v7x
topology: tpu7x:2x2x1
jax: 0.10.2.dev20260603
libtpu: 0.0.44.dev20260713+nightly
codegen_flags: <defaults>
</compile_context>

<pallas_src>
import jax
import jax.numpy as jnp
from jax.experimental import pallas as pl
from jax.experimental.pallas import tpu as pltpu

_M = 256
_N = 256
_DIM = 64
_B = 1024
_SIGMA = 128.0
_DECAY = 1000.0

_BBLK = 512
_KBLK = 4096
_KB = (_M * _N) // _KBLK

_OBBLK = 64
_BIG = 2**30


def _bmu_kernel(x_ref, w_ref, out_ref, val_ref, idx_ref):
    k = pl.program_id(1)

    @pl.when(k == 0)
    def _init():
        val_ref[...] = jnp.full_like(val_ref[...], jnp.inf)
        idx_ref[...] = jnp.zeros_like(idx_ref[...])

    x = x_ref[...]
    w = w_ref[...]
    x2 = jnp.sum(x * x, axis=1, keepdims=True)
    w2 = jnp.sum(w * w, axis=1)[None, :]
    mm = jax.lax.dot_general(
        x.astype(jnp.bfloat16), w.astype(jnp.bfloat16),
        (((1,), (1,)), ((), ())),
        preferred_element_type=jnp.float32,
    )
    s = (x2 - 2.0 * mm) + w2
    m = jnp.min(s, axis=1, keepdims=True)
    iota = jax.lax.broadcasted_iota(jnp.int32, s.shape, 1)
    bi = jnp.min(jnp.where(s == m, iota, _BIG), axis=1, keepdims=True) + k * _KBLK
    better = m < val_ref[...]
    idx_ref[...] = jnp.where(better, bi, idx_ref[...])
    val_ref[...] = jnp.where(better, m, val_ref[...])

    @pl.when(k == _KB - 1)
    def _done():
        out_ref[...] = idx_ref[...]


def _neigh_kernel(scale_ref, bmu_ref, out_ref):
    neg_inv_s2 = scale_ref[0, 0]
    idx = bmu_ref[...]
    bi = (idx // _N).astype(jnp.float32)
    bj = (idx % _N).astype(jnp.float32)
    ii = jax.lax.broadcasted_iota(jnp.int32, (_OBBLK, _M), 1).astype(jnp.float32)
    jj = jax.lax.broadcasted_iota(jnp.int32, (_OBBLK, _N), 1).astype(jnp.float32)
    di = ii - bi
    dj = jj - bj
    fi = jnp.exp((di * di) * neg_inv_s2)
    fj = jnp.exp((dj * dj) * neg_inv_s2)
    out_ref[...] = fi[:, :, None] * fj[:, None, :]


def kernel(batch, weights, locations, it):
    del locations
    bmu_idx = pl.pallas_call(
        _bmu_kernel,
        grid=(_B // _BBLK, _KB),
        in_specs=[
            pl.BlockSpec((_BBLK, _DIM), lambda b, k: (b, 0)),
            pl.BlockSpec((_KBLK, _DIM), lambda b, k: (k, 0)),
        ],
        out_specs=pl.BlockSpec((_BBLK, 1), lambda b, k: (b, 0)),
        out_shape=jax.ShapeDtypeStruct((_B, 1), jnp.int32),
        scratch_shapes=[
            pltpu.VMEM((_BBLK, 1), jnp.float32),
            pltpu.VMEM((_BBLK, 1), jnp.int32),
        ],
        compiler_params=pltpu.CompilerParams(
            dimension_semantics=("parallel", "arbitrary"),
        ),
    )(batch, weights)

    lr = jnp.exp(-jnp.asarray(it, jnp.float32) / _DECAY)
    sigma = _SIGMA * lr
    neg_inv_s2 = (-1.0 / (sigma * sigma)).astype(jnp.float32).reshape(1, 1)

    out = pl.pallas_call(
        _neigh_kernel,
        grid=(_B // _OBBLK,),
        in_specs=[
            pl.BlockSpec(memory_space=pltpu.SMEM),
            pl.BlockSpec((_OBBLK, 1), lambda b: (b, 0)),
        ],
        out_specs=pl.BlockSpec((_OBBLK, _M, _N), lambda b: (b, 0, 0)),
        out_shape=jax.ShapeDtypeStruct((_B, _M, _N), jnp.float32),
        compiler_params=pltpu.CompilerParams(
            dimension_semantics=("parallel",),
        ),
    )(neg_inv_s2, bmu_idx)
    return out.reshape(_B, _M * _N)

# --- scband reference (transcript-rebuilt; emitter-appended) ---
"""Pipeline reference for scband-stm-71674414236237 (READ-ONLY COPY).

The authoritative reference and input builder live on the scoring server;
editing this copy changes nothing except your own understanding.
"""

import jax, jax.numpy as jnp
import numpy as np

M = 256
N = 256
DIM = 64
B = 1024
SIGMA = 128.0
DECAY = 1000


def setup_inputs(seed: int = 0) -> dict:
    key = jax.random.key(seed)
    k1, k2 = jax.random.split(key)
    batch = jax.random.normal(k1, (B, DIM), dtype=jnp.float32)
    # learned parameter: SOM weight vectors, one per map unit
    weights = jax.random.normal(k2, (M * N, DIM), dtype=jnp.float32)
    # fixed neuron grid locations, row-major (i, j), matching neuron_locations()
    ii, jj = jnp.meshgrid(jnp.arange(M), jnp.arange(N), indexing='ij')
    locations = jnp.stack([ii, jj], axis=-1).reshape(M * N, 2).astype(jnp.int32)
    return {"batch": batch, "weights": weights, "locations": locations, "it": 1}


def reference(batch, weights, locations, it):
    # torch.cdist(batch, weights, p=2) via the quadratic expansion
    x2 = jnp.sum(batch * batch, axis=1, keepdims=True)          # [B, 1]
    w2 = jnp.sum(weights * weights, axis=1)[None, :]            # [1, K]
    d2 = x2 - 2.0 * (batch @ weights.T) + w2                    # [B, K]
    dists = jnp.sqrt(jnp.maximum(d2, 0.0))
    # BMU = nearest map unit (1-NN retrieval over the codebook)
    bmu_indices = jnp.argmin(dists, axis=1)                     # [B]
    bmu_loc = jnp.take(locations, bmu_indices, axis=0)          # [B, 2] gather
    learning_rate_op = jnp.exp(-jnp.asarray(it, jnp.float32) / DECAY)
    sigma_op = SIGMA * learning_rate_op
    # distances on the map grid from every unit to each sample's BMU
    diff = locations.astype(jnp.float32)[None, :, :] - bmu_loc.astype(jnp.float32)[:, None, :]  # [B, K, 2]
    bmu_distance_squares = jnp.sum(diff * diff, axis=2)         # [B, K]
    neighbourhood_func = jnp.exp(-(bmu_distance_squares / (sigma_op ** 2)))
    return neighbourhood_func

if __name__ == "__main__":
    import jax
    _d = setup_inputs()
    print(jax.jit(kernel)(*tuple(_d.values())))

</pallas_src>

<mosaic_0001>
module attributes {stable_mosaic.version = 14 : i64} {
  func.func @_bmu_kernel(%arg0: i32, %arg1: i32, %arg2: memref<512x64xf32, #tpu.memory_space<vmem>>, %arg3: memref<4096x64xf32, #tpu.memory_space<vmem>>, %arg4: memref<512x1xi32, #tpu.memory_space<vmem>>, %arg5: memref<512x1xf32, #tpu.memory_space<vmem>>, %arg6: memref<512x1xi32, #tpu.memory_space<vmem>>) attributes {dimension_semantics = [#tpu.dimension_semantics<parallel>, #tpu.dimension_semantics<arbitrary>], iteration_bounds = array<i64: 2, 16>, scalar_prefetch = 0 : i64, scratch_operands = 2 : i64, tpu.core_type = #tpu.core_type<tc>, window_params = [{transform_indices = @transform_0, window_bounds = array<i64: 512, 64>}, {transform_indices = @transform_1, window_bounds = array<i64: 4096, 64>}, {transform_indices = @transform_2, window_bounds = array<i64: 512, 1>}]} {
    %eq3A = arith.constant 0 : i32
    %eq3A_0 = arith.cmpi eq, %arg1, %eq3A : i32
    %convert_element_type3A = arith.extui %eq3A_0 : i1 to i32
    %cond3A = arith.constant 0 : i32
    %cond3A_1 = arith.cmpi ne, %convert_element_type3A, %cond3A : i32
    scf.if %cond3A_1 {
      %broadcast_in_dim3A_53 = arith.constant 0x7F800000 : f32
      %broadcast_in_dim3A_54 = vector.broadcast %broadcast_in_dim3A_53 : f32 to vector<512x1xf32>
      %swap3A_55 = arith.constant 0 : index
      %swap3A_56 = arith.constant 0 : index
      %swap3A_57 = vector.load %arg5[%swap3A_55, %swap3A_56] : memref<512x1xf32, #tpu.memory_space<vmem>>, vector<512x1xf32>
      tpu.vector_store %arg5[%swap3A_55, %swap3A_56], %broadcast_in_dim3A_54 {strides = array<i32>} : memref<512x1xf32, #tpu.memory_space<vmem>>, vector<512x1xf32>,
      %broadcast_in_dim3A_58 = arith.constant 0 : i32
      %broadcast_in_dim3A_59 = vector.broadcast %broadcast_in_dim3A_58 : i32 to vector<512x1xi32>
      %swap3A_60 = arith.constant 0 : index
      %swap3A_61 = arith.constant 0 : index
      %swap3A_62 = vector.load %arg6[%swap3A_60, %swap3A_61] : memref<512x1xi32, #tpu.memory_space<vmem>>, vector<512x1xi32>
      tpu.vector_store %arg6[%swap3A_60, %swap3A_61], %broadcast_in_dim3A_59 {strides = array<i32>} : memref<512x1xi32, #tpu.memory_space<vmem>>, vector<512x1xi32>,
    } else {
    }
    %get3A = arith.constant 0 : index
    %get3A_2 = arith.constant 0 : index
    %get3A_3 = vector.load %arg2[%get3A, %get3A_2] : memref<512x64xf32, #tpu.memory_space<vmem>>, vector<512x64xf32>
    %get3A_4 = arith.constant 0 : index
    %get3A_5 = arith.constant 0 : index
    %get3A_6 = vector.load %arg3[%get3A_4, %get3A_5] : memref<4096x64xf32, #tpu.memory_space<vmem>>, vector<4096x64xf32>
    %mul3A = arith.mulf %get3A_3, %get3A_3 : vector<512x64xf32>
    %reduce_sum3A = arith.constant dense<0.000000e+00> : vector<512xf32>
    %reduce_sum3A_7 = vector.multi_reduction <add>, %mul3A, %reduce_sum3A [1] : vector<512x64xf32> to vector<512xf32>
    %broadcast_in_dim3A = vector.shape_cast %reduce_sum3A_7 : vector<512xf32> to vector<512x1xf32>
    %mul3A_8 = arith.mulf %get3A_6, %get3A_6 : vector<4096x64xf32>
    %reduce_sum3A_9 = arith.constant dense<0.000000e+00> : vector<4096xf32>
    %reduce_sum3A_10 = vector.multi_reduction <add>, %mul3A_8, %reduce_sum3A_9 [1] : vector<4096x64xf32> to vector<4096xf32>
    %broadcast_in_dim3A_11 = vector.shape_cast %reduce_sum3A_10 : vector<4096xf32> to vector<1x4096xf32>
    %convert_element_type3A_12 = arith.truncf %get3A_3 : vector<512x64xf32> to vector<512x64xbf16>
    %convert_element_type3A_13 = arith.truncf %get3A_6 : vector<4096x64xf32> to vector<4096x64xbf16>
    %dot_general3A = arith.constant dense<0.000000e+00> : vector<512x4096xf32>
    %dot_general3A_14 = tpu.matmul %convert_element_type3A_12, %convert_element_type3A_13, %dot_general3A {dimension_numbers = #tpu.dot_dimension_numbers<[1], [1], [0], [0], [0, 0, 1, 0], [], []>, transpose_lhs_hint = false} : vector<512x64xbf16>, vector<4096x64xbf16>, vector<512x4096xf32> -> vector<512x4096xf32>
    %mul3A_15 = arith.constant 2.000000e+00 : f32
    %mul3A_16 = vector.broadcast %mul3A_15 : f32 to vector<512x4096xf32>
    %mul3A_17 = arith.mulf %mul3A_16, %dot_general3A_14 : vector<512x4096xf32>
    %sub3A = vector.broadcast %broadcast_in_dim3A : vector<512x1xf32> to vector<512x4096xf32>
    %sub3A_18 = arith.subf %sub3A, %mul3A_17 : vector<512x4096xf32>
    %add3A = vector.broadcast %broadcast_in_dim3A_11 : vector<1x4096xf32> to vector<512x4096xf32>
    %add3A_19 = arith.addf %sub3A_18, %add3A : vector<512x4096xf32>
    %reduce_min3A = arith.constant dense<0x7F800000> : vector<512xf32>
    %reduce_min3A_20 = vector.multi_reduction <minimumf>, %add3A_19, %reduce_min3A [1] : vector<512x4096xf32> to vector<512xf32>
    %broadcast_in_dim3A_21 = vector.shape_cast %reduce_min3A_20 : vector<512xf32> to vector<512x1xf32>
    %iota3A = tpu.iota {dimensions = array<i32: 1>} : vector<512x4096xi32>
    %eq3A_22 = vector.broadcast %broadcast_in_dim3A_21 : vector<512x1xf32> to vector<512x4096xf32>
    %eq3A_23 = arith.cmpf oeq, %add3A_19, %eq3A_22 : vector<512x4096xf32>
    %jit3A = arith.constant 1073741824 : i32
    %broadcast_in_dim3A_24 = vector.broadcast %jit3A : i32 to vector<512x4096xi32>
    %select_n3A = arith.select %eq3A_23, %iota3A, %broadcast_in_dim3A_24 : vector<512x4096xi1>, vector<512x4096xi32>
    %reduce_min3A_25 = arith.constant dense<2147483647> : vector<512xi32>
    %reduce_min3A_26 = vector.multi_reduction <minsi>, %select_n3A, %reduce_min3A_25 [1] : vector<512x4096xi32> to vector<512xi32>
    %broadcast_in_dim3A_27 = vector.shape_cast %reduce_min3A_26 : vector<512xi32> to vector<512x1xi32>
    %mul3A_28 = arith.constant 4096 : i32
    %mul3A_29 = arith.muli %arg1, %mul3A_28 : i32
    %add3A_30 = vector.broadcast %mul3A_29 : i32 to vector<512x1xi32>
    %add3A_31 = arith.addi %broadcast_in_dim3A_27, %add3A_30 : vector<512x1xi32>
    %get3A_32 = arith.constant 0 : index
    %get3A_33 = arith.constant 0 : index
    %get3A_34 = vector.load %arg5[%get3A_32, %get3A_33] : memref<512x1xf32, #tpu.memory_space<vmem>>, vector<512x1xf32>
    %lt3A = arith.cmpf olt, %broadcast_in_dim3A_21, %get3A_34 : vector<512x1xf32>
    %get3A_35 = arith.constant 0 : index
    %get3A_36 = arith.constant 0 : index
    %get3A_37 = vector.load %arg6[%get3A_35, %get3A_36] : memref<512x1xi32, #tpu.memory_space<vmem>>, vector<512x1xi32>
    %select_n3A_38 = arith.select %lt3A, %add3A_31, %get3A_37 : vector<512x1xi1>, vector<512x1xi32>
    %swap3A = arith.constant 0 : index
    %swap3A_39 = arith.constant 0 : index
    %swap3A_40 = vector.load %arg6[%swap3A, %swap3A_39] : memref<512x1xi32, #tpu.memory_space<vmem>>, vector<512x1xi32>
    tpu.vector_store %arg6[%swap3A, %swap3A_39], %select_n3A_38 {strides = array<i32>} : memref<512x1xi32, #tpu.memory_space<vmem>>, vector<512x1xi32>,
    %get3A_41 = arith.constant 0 : index
    %get3A_42 = arith.constant 0 : index
    %get3A_43 = vector.load %arg5[%get3A_41, %get3A_42] : memref<512x1xf32, #tpu.memory_space<vmem>>, vector<512x1xf32>
    %select_n3A_44 = arith.select %lt3A, %broadcast_in_dim3A_21, %get3A_43 : vector<512x1xi1>, vector<512x1xf32>
    %swap3A_45 = arith.constant 0 : index
    %swap3A_46 = arith.constant 0 : index
    %swap3A_47 = vector.load %arg5[%swap3A_45, %swap3A_46] : memref<512x1xf32, #tpu.memory_space<vmem>>, vector<512x1xf32>
    tpu.vector_store %arg5[%swap3A_45, %swap3A_46], %select_n3A_44 {strides = array<i32>} : memref<512x1xf32, #tpu.memory_space<vmem>>, vector<512x1xf32>,
    %eq3A_48 = arith.constant 15 : i32
    %eq3A_49 = arith.cmpi eq, %arg1, %eq3A_48 : i32
    %convert_element_type3A_50 = arith.extui %eq3A_49 : i1 to i32
    %cond3A_51 = arith.constant 0 : i32
    %cond3A_52 = arith.cmpi ne, %convert_element_type3A_50, %cond3A_51 : i32
    scf.if %cond3A_52 {
      %get3A_53 = arith.constant 0 : index
      %get3A_54 = arith.constant 0 : index
      %get3A_55 = vector.load %arg6[%get3A_53, %get3A_54] : memref<512x1xi32, #tpu.memory_space<vmem>>, vector<512x1xi32>
      %swap3A_56 = arith.constant 0 : index
      %swap3A_57 = arith.constant 0 : index
      %swap3A_58 = vector.load %arg4[%swap3A_56, %swap3A_57] : memref<512x1xi32, #tpu.memory_space<vmem>>, vector<512x1xi32>
      tpu.vector_store %arg4[%swap3A_56, %swap3A_57], %get3A_55 {strides = array<i32>} : memref<512x1xi32, #tpu.memory_space<vmem>>, vector<512x1xi32>,
    } else {
    }
    return
  }
  func.func @transform_0(%arg0: i32, %arg1: i32) -> (i32, i32) {
    %c0_i32 = arith.constant 0 : i32
    %c0_i32_0 = arith.constant 0 : i32
    return %arg0, %c0_i32 : i32, i32
  }
  func.func @transform_1(%arg0: i32, %arg1: i32) -> (i32, i32) {
    %c0_i32 = arith.constant 0 : i32
    %c0_i32_0 = arith.constant 0 : i32
    return %arg1, %c0_i32 : i32, i32
  }
  func.func @transform_2(%arg0: i32, %arg1: i32) -> (i32, i32) {
    %c0_i32 = arith.constant 0 : i32
    %c0_i32_0 = arith.constant 0 : i32
    return %arg0, %c0_i32 : i32, i32
  }
}

module attributes {stable_mosaic.version = 14 : i64} {
  func.func @_neigh_kernel(%arg0: i32, %arg1: memref<1x1xf32, #tpu.memory_space<smem>>, %arg2: memref<64x1xi32, #tpu.memory_space<vmem>>, %arg3: memref<64x256x256xf32, #tpu.memory_space<vmem>>) attributes {dimension_semantics = [#tpu.dimension_semantics<parallel>], iteration_bounds = array<i64: 16>, scalar_prefetch = 0 : i64, scratch_operands = 0 : i64, tpu.core_type = #tpu.core_type<tc>, window_params = [{transform_indices = @transform_0, window_bounds = array<i64: 1, 1>}, {transform_indices = @transform_1, window_bounds = array<i64: 64, 1>}, {transform_indices = @transform_2, window_bounds = array<i64: 64, 256, 256>}]} {
    %get3A = arith.constant 0 : index
    %get3A_0 = arith.constant 0 : index
    %get3A_1 = memref.load %arg1[%get3A, %get3A_0] : memref<1x1xf32, #tpu.memory_space<smem>>
    %get3A_2 = arith.constant 0 : index
    %get3A_3 = arith.constant 0 : index
    %get3A_4 = vector.load %arg2[%get3A_2, %get3A_3] : memref<64x1xi32, #tpu.memory_space<vmem>>, vector<64x1xi32>
    %jit3A = arith.constant 256 : i32
    %div3A = vector.broadcast %jit3A : i32 to vector<64x1xi32>
    %div3A_5 = arith.divsi %get3A_4, %div3A : vector<64x1xi32>
    %sign3A = arith.constant 0 : i32
    %sign3A_6 = vector.broadcast %sign3A : i32 to vector<64x1xi32>
    %sign3A_7 = arith.cmpi sgt, %get3A_4, %sign3A_6 : vector<64x1xi32>
    %sign3A_8 = arith.extui %sign3A_7 : vector<64x1xi1> to vector<64x1xi32>
    %sign3A_9 = arith.constant 0 : i32
    %sign3A_10 = vector.broadcast %sign3A_9 : i32 to vector<64x1xi32>
    %sign3A_11 = arith.cmpi slt, %get3A_4, %sign3A_10 : vector<64x1xi32>
    %sign3A_12 = arith.extui %sign3A_11 : vector<64x1xi1> to vector<64x1xi32>
    %sign3A_13 = arith.subi %sign3A_8, %sign3A_12 : vector<64x1xi32>
    %sign3A_14 = arith.constant 0 : i32
    %sign3A_15 = arith.cmpi sgt, %jit3A, %sign3A_14 : i32
    %sign3A_16 = arith.extui %sign3A_15 : i1 to i32
    %sign3A_17 = arith.constant 0 : i32
    %sign3A_18 = arith.cmpi slt, %jit3A, %sign3A_17 : i32
    %sign3A_19 = arith.extui %sign3A_18 : i1 to i32
    %sign3A_20 = arith.subi %sign3A_16, %sign3A_19 : i32
    %ne3A = vector.broadcast %sign3A_20 : i32 to vector<64x1xi32>
    %ne3A_21 = arith.cmpi ne, %sign3A_13, %ne3A : vector<64x1xi32>
    %rem3A = vector.broadcast %jit3A : i32 to vector<64x1xi32>
    %rem3A_22 = arith.remsi %get3A_4, %rem3A : vector<64x1xi32>
    %ne3A_23 = arith.constant 0 : i32
    %ne3A_24 = vector.broadcast %ne3A_23 : i32 to vector<64x1xi32>
    %ne3A_25 = arith.cmpi ne, %rem3A_22, %ne3A_24 : vector<64x1xi32>
    %and3A = arith.andi %ne3A_21, %ne3A_25 : vector<64x1xi1>
    %sub3A = arith.constant 1 : i32
    %sub3A_26 = vector.broadcast %sub3A : i32 to vector<64x1xi32>
    %sub3A_27 = arith.subi %div3A_5, %sub3A_26 : vector<64x1xi32>
    %select_n3A = arith.select %and3A, %sub3A_27, %div3A_5 : vector<64x1xi1>, vector<64x1xi32>
    %convert_element_type3A = arith.sitofp %select_n3A : vector<64x1xi32> to vector<64x1xf32>
    %jit3A_28 = arith.constant 256 : i32
    %eq3A = arith.constant 0 : i32
    %eq3A_29 = arith.cmpi eq, %jit3A_28, %eq3A : i32
    %jit3A_30 = arith.constant 1 : i32
    %select_n3A_31 = arith.select %eq3A_29, %jit3A_30, %jit3A_28 : i32
    %rem3A_32 = vector.broadcast %select_n3A_31 : i32 to vector<64x1xi32>
    %rem3A_33 = arith.remsi %get3A_4, %rem3A_32 : vector<64x1xi32>
    %ne3A_34 = arith.constant 0 : i32
    %ne3A_35 = vector.broadcast %ne3A_34 : i32 to vector<64x1xi32>
    %ne3A_36 = arith.cmpi ne, %rem3A_33, %ne3A_35 : vector<64x1xi32>
    %lt3A = arith.constant 0 : i32
    %lt3A_37 = vector.broadcast %lt3A : i32 to vector<64x1xi32>
    %lt3A_38 = arith.cmpi slt, %rem3A_33, %lt3A_37 : vector<64x1xi32>
    %lt3A_39 = arith.constant 0 : i32
    %lt3A_40 = arith.cmpi slt, %select_n3A_31, %lt3A_39 : i32
    %ne3A_41 = vector.broadcast %lt3A_40 : i1 to vector<64x1xi1>
    %ne3A_42 = vector.broadcast %ne3A_41 : vector<64x1xi1> to vector<64x1xi1>
    %ne3A_43 = arith.xori %lt3A_38, %ne3A_42 : vector<64x1xi1>
    %and3A_44 = arith.andi %ne3A_43, %ne3A_36 : vector<64x1xi1>
    %add3A = vector.broadcast %select_n3A_31 : i32 to vector<64x1xi32>
    %add3A_45 = arith.addi %rem3A_33, %add3A : vector<64x1xi32>
    %select_n3A_46 = arith.select %and3A_44, %add3A_45, %rem3A_33 : vector<64x1xi1>, vector<64x1xi32>
    %convert_element_type3A_47 = arith.sitofp %select_n3A_46 : vector<64x1xi32> to vector<64x1xf32>
    %iota3A = tpu.iota {dimensions = array<i32: 1>} : vector<64x256xi32>
    %convert_element_type3A_48 = arith.sitofp %iota3A : vector<64x256xi32> to vector<64x256xf32>
    %iota3A_49 = tpu.iota {dimensions = array<i32: 1>} : vector<64x256xi32>
    %convert_element_type3A_50 = arith.sitofp %iota3A_49 : vector<64x256xi32> to vector<64x256xf32>
    %sub3A_51 = vector.broadcast %convert_element_type3A : vector<64x1xf32> to vector<64x256xf32>
    %sub3A_52 = arith.subf %convert_element_type3A_48, %sub3A_51 : vector<64x256xf32>
    %sub3A_53 = vector.broadcast %convert_element_type3A_47 : vector<64x1xf32> to vector<64x256xf32>
    %sub3A_54 = arith.subf %convert_element_type3A_50, %sub3A_53 : vector<64x256xf32>
    %mul3A = arith.mulf %sub3A_52, %sub3A_52 : vector<64x256xf32>
    %mul3A_55 = vector.broadcast %get3A_1 : f32 to vector<64x256xf32>
    %mul3A_56 = arith.mulf %mul3A, %mul3A_55 : vector<64x256xf32>
    %exp3A = math.exp %mul3A_56 : vector<64x256xf32>
    %mul3A_57 = arith.mulf %sub3A_54, %sub3A_54 : vector<64x256xf32>
    %mul3A_58 = vector.broadcast %get3A_1 : f32 to vector<64x256xf32>
    %mul3A_59 = arith.mulf %mul3A_57, %mul3A_58 : vector<64x256xf32>
    %exp3A_60 = math.exp %mul3A_59 : vector<64x256xf32>
    %broadcast_in_dim3A = vector.shape_cast %exp3A : vector<64x256xf32> to vector<64x256x1xf32>
    %broadcast_in_dim3A_61 = vector.shape_cast %exp3A_60 : vector<64x256xf32> to vector<64x1x256xf32>
    %mul3A_62 = vector.broadcast %broadcast_in_dim3A : vector<64x256x1xf32> to vector<64x256x256xf32>
    %mul3A_63 = vector.broadcast %broadcast_in_dim3A_61 : vector<64x1x256xf32> to vector<64x256x256xf32>
    %mul3A_64 = arith.mulf %mul3A_62, %mul3A_63 : vector<64x256x256xf32>
    %swap3A = arith.constant 0 : index
    %swap3A_65 = arith.constant 0 : index
    %swap3A_66 = arith.constant 0 : index
    %swap3A_67 = vector.load %arg3[%swap3A, %swap3A_65, %swap3A_66] : memref<64x256x256xf32, #tpu.memory_space<vmem>>, vector<64x256x256xf32>
    tpu.vector_store %arg3[%swap3A, %swap3A_65, %swap3A_66], %mul3A_64 {strides = array<i32>} : memref<64x256x256xf32, #tpu.memory_space<vmem>>, vector<64x256x256xf32>,
    return
  }
  func.func @transform_0(%arg0: i32) -> (i32, i32) {
    %c0_i32 = arith.constant 0 : i32
    %c0_i32_0 = arith.constant 0 : i32
    %c0_i32_1 = arith.constant 0 : i32
    return %c0_i32, %c0_i32_0 : i32, i32
  }
  func.func @transform_1(%arg0: i32) -> (i32, i32) {
    %c0_i32 = arith.constant 0 : i32
    %c0_i32_0 = arith.constant 0 : i32
    return %arg0, %c0_i32 : i32, i32
  }
  func.func @transform_2(%arg0: i32) -> (i32, i32, i32) {
    %c0_i32 = arith.constant 0 : i32
    %c0_i32_0 = arith.constant 0 : i32
    %c0_i32_1 = arith.constant 0 : i32
    return %arg0, %c0_i32, %c0_i32_0 : i32, i32, i32
  }
}

</mosaic_0001>

<sc_bundles>
// kernel: sparse-core-data-format-call.cloned.1.call-start
scs
called_computation_lowered:
.L_overlay_start_0:
0x0: {  	s2 =	sld [smem:$0x3FD9]  }
0x1: {  	s3 =	sld [smem:$0x3FFE];
	_ =	sdelay $0x1  }
0x2: {  	s1 =	srdreg.scid  }
0x3: {  	s0 =	sand.u32 $0x1, s1  }
0x4: {  	s18 =	sshll.u32 s0, $0xA;
	s2 =	sadd.s32 s3, s2  }
0x5: {  	s2 =	sadd.s32 s2, s18  }
0x6: {  	[smem:$0x3FC5] =	sst s2  }
0x7: {  	_ = 	snop  }
0x8: {  	s2 =	sld [smem:$0x3FD0];
	(tm) =	ssettm $0x1  }
0x9: {  	s19 =	sld [smem:$0x3FFB];
	_ =	sdelay $0x3  }
0xa: {  	_ =	strace s19  }
0xb: {  	s3 =	sld [smem:$0x3FFC];
	_ =	sdelay $0x3  }
0xc: {  	_ =	strace s3  }
0xd: {  	s3 =	sld [smem:$0x3FFD];
	_ =	sdelay $0x3  }
0xe: {  	_ =	strace s3  }
0xf: {  	_ =	strace $0x8FFFFFFF  }
0x10: {  	s20 =	sld [smem:$0x3FDB];
	_ =	sdelay $0x1  }
0x11: {  	s4 =	simm.s32 $_scs_section_size  }
0x12: {  	s5 =	simm.s32 $_size__tile_overlayer_lowered;
	s6 =	simm.s32 $_tile_overlayer_lowered  }
0x13: {  	s23 =	simm.s32 $0x1BFF;
	s22 =	sshll.u32 s6, $0x1;
	s3 =	sadd.s32 s4, s20  }
0x14: {  	s7 =	simm.s32 $0x0;
	s21 =	sshll.u32 s5, $0x1;
	s5 =	sadd.s32 s22, s3  }
0x15: {  	[timem:s7], [sflag:s23] =	dma.local [hbm:s5], s21  }
0x16: {  	_ =	swait.ge [sflag:s23], s21  }
0x17: {  	s4 =	ssub.s32 $0x0, s21;
	[sflag:s23] =	ssyncset.done $0x0  }
0x18: {  	[sflag:s23] =	ssyncadd.s32 s4;
	_ =	sdelay $0x1  }
0x19: {  	s24 =	simm.s32 $0x1B8B  }
0x1a: {  	_ =	swait.ge [sflag:s24], $0x1  }
0x1b: {  	[sflag:s24] =	ssyncset.done $0x0  }
0x1c: {  	s26 =	simm.s32 $0x1B8E;
	s25 =	sld [smem:$0x3FFE];
	[sflag:s24] =	ssyncadd.s32 $0xFFFFFFFF  }
0x1d: {  	s27 =	simm.s32 $execute0_lowered;
	[smem:$0x3FD2] =	sst s26  }
0x1e: {  	s5 =	sshll.u32 s27, $0x1;
	_ =	strace $0x80000046;
	[dreg:$0x1] =	wrdreg $0xFFFFFFFF  }
0x1f: {  	s28 =	simm.s32 $_size_execute0_lowered;
	s3 =	sadd.s32 s3, s5;
	[dreg:$0x0] =	wrdreg $0x0  }
0x20: {  	s5 =	sshll.u32 s28, $0x1;
	[dreg:$0x2] =	wrdreg s3  }
0x21: {  	[dreg:$0x3] =	wrdreg s5  }
0x22: {  	[dreg:$0x4] =	wrdreg $0xC0  }
0x23: {  	_ =	task [dreg:s7], $0x5FFFF  }
0x24: {  	[dreg:$0x1] =	wrdreg $0xFFFFFFFF  }
0x25: {  	[dreg:$0x0] =	wrdreg $0x60  }
0x26: {  	[dreg:$0x2] =	wrdreg s25  }
0x27: {  	[dreg:$0x3] =	wrdreg s2  }
0x28: {  	[dreg:$0x4] =	wrdreg $0x9  }
0x29: {  	_ =	task.clear_ibuf [dreg:s7], $0x5FFFF;
	_ =	strace $0x90000046  }
0x2a: {  	s29 =	simm.s32 $0x9;
	_ =	strace $0x80000048  }
0x2b: {  	_ =	swait.ge [sflag:s29], $0x1  }
0x2c: {  	[sflag:s29] =	ssyncadd.s32 $0xFFFFFFFF  }
0x2d: {  	_ =	strace $0x90000048  }
0x2e: {  	_ =	sfence  }
0x2f: {  	s30 =	sld [smem:$0x0];
	_ =	sdelay $0x2  }
0x30: {  	s31 =	sshll.u32 s1, $0xD;
	s1 =	sshrl.u32 s1, $0x2  }
0x31: {  	s3 =	sand.u32 $0x4000, s31;
	s1 =	sadd.s32 s1, s30  }
0x32: {  	s0 =	sor.u32 s3, s0;
	s1 =	sshll.u32 s1, $0x11  }
0x33: {  	s0 =	sor.u32 s1, s0  }
0x34: {  	s0 =	sadd.s32 $0x8F2B, s0  }
0x35: {  	[sflag:s0] =	ssyncadd.remote.s32 $0x1  }
0x36: {  	_ =	sfence.sel $0xFFFF  }
0x37: {  	[dreg:$0x0] =	wrdreg $0xFFFFFFFF;
	(pc) =	sbr.abs _section_cstart, $3  }
0x38: {  	[dreg:$0x1] =	wrdreg $0xFFFFFFFF  }
0x39: {  	_ =	task.clear_ibuf [dreg:s7], $0x2FFFF;
	_ =	strace $0x9FFFFFFF  }
0x3a: {  	(tm) =	ssettm $0x7FFFFFFF  }
0x3b: {  	_ =	shalt  }
tec
execute0_lowered:
.L_overlay_start_1:
0x0: {  	(tag) =	ssettag $0x1  }
0x1: {  	s1 =	rddreg [dreg:$0x0]  }
0x2: {  	s2 =	rddreg [dreg:$0x1]  }
0x3: {  	s0 =	rddreg [dreg:$0x2];
	_ =	strace $0x80000047;
	s4 =	srdreg.scid  }
0x4: {  	s6 =	simm.s32 $0x2;
	s12 =	simm.s32 $0x0;
	p0 =	por $0x0, $0x0  }
0x5: {  	s13 =	simm.s32 $0x0;
	s15 =	simm.s32 $0x0;
	s14 =	simm.s32 $0x0  }
.Ltmp0:
0x6: {  	s8 =	simm.s32 $0x0;
	s9 =	simm.s32 $0x0;
	(pc) =	sbr.rel .LBB1_1-.Ltmp0, $4  }
0x7: {  	s10 =	simm.s32 $0x0;
	s3 =	sadd.s32 $0x600, s1;
	s5 =	sshll.u32 s4, $0x4  }
0x8: {  	s1 =	stileid.u32;
	s4 =	simm.s32 $0x1;
	s5 =	sand.u32 $0x10, s5  }
0x9: {  	s7 =	simm.s32 $0x0;
	[sflag:s4] =	ssyncpa.u1 $0x0;
	s5 =	sor.u32 s1, s5  }
0xa: {  	[sflag:s6] =	ssyncpa.u1 $0x0;
	s6 =	simm.s32 $0x800;
	s11 =	smov.u32 s5  }
.LBB1_5:
0xb: {  	s16 =	sadd.s32 $0x80, s8  }
0xc: {  	s12 =	sadd.s32 $0x80, s9;
	s17 =	smov.u32 s9;
	p2 =	sgt.s32 s16, $0xFF  }
0xd: {  	s17 =	smov.u32 @p2 s12  }
0xe: {  	s12 =	simm.s32 $0x1;
	p3 =	sgt.s32 s17, $0xFF  }
0xf: {  	s12 =	simm.s32 @!p3 $0x0  }
0x10: {  	s18 =	sadd.s32 s12, s10  }
0x11: {  	s19 =	smov.u32 s11;
	s12 =	sadd.s32 $0x20, s11;
	p4 =	sgt.s32 s18, $0x7  }
0x12: {  	p1 =	slt.u32 s7, $0x2;
	s19 =	smov.u32 @p4 s12  }
0x13: {  	s7 =	sadd.s32 $0x1, s7;
	s16 =	simm.s32 @p2 $0x0;
	p2 =	sgt.s32 s19, $0x7F  }
0x14: {  	s20 =	simm.s32 @!p1 $0x2;
	s19 =	smov.u32 @p2 s5;
	p2 =	sne.s32 s7, $0x82  }
.Ltmp1:
0x15: {  	s13 =	smov.u32 s9;
	_ =	swait.ge @!p1 [sflag:s20], $0x4000;
	(pc) =	sbr.rel @!p2 .LBB1_6-.Ltmp1, $4  }
0x16: {  	s15 =	smov.u32 s10;
	s14 =	smov.u32 s11;
	[sflag:s20] =	ssyncset.done @!p1 $0x0  }
0x17: {  	p0 =	por !p0, !p0;
	s17 =	simm.s32 @p3 $0x0;
	[sflag:s20] =	ssyncadd.s32 @!p1 $0xFFFFC000  }
0x18: {  	s9 =	smov.u32 s17;
	s18 =	simm.s32 @p4 $0x0;
	s12 =	smov.u32 s8  }
0x19: {  	s8 =	smov.u32 s16;
	s10 =	smov.u32 s18;
	s11 =	smov.u32 s19  }
.LBB1_1:
0x1a: {  	p1 =	sgt.u32 s7, $0x7F  }
0x1b: {  	s16 =	sxor.u32 @!p1 $0xFFFFFFFF, s7;
	s17 =	sand.u32 @!p1 $0x78, s8;
	s18 =	sshll.u32 @!p1 s9, $0x8  }
0x1c: {  	s19 =	sshll.u32 @!p1 s8, $0x3;
	s20 =	sshll.u32 @!p1 s9, $0x7;
	s16 =	sshll.u32 @!p1 s16, $0xE  }
0x1d: {  	s18 =	sand.u32 @!p1 $0xF800, s18;
	s19 =	sand.u32 @!p1 $0xFC00, s19;
	s16 =	sand.u32 @!p1 $0x4000, s16  }
0x1e: {  	s18 =	sadd.s32 @!p1 s18, s19;
	s19 =	sand.u32 @!p1 $0x300, s20;
	s20 =	sand.u32 @!p1 $0x80, s20  }
0x1f: {  	s18 =	sor.u32 @!p1 s19, s18;
	s17 =	sor.u32 @!p1 s17, s20;
	s19 =	sshll.u32 @!p1 s11, $0x10  }
0x20: {  	s20 =	sshll.u32 @!p1 s10, $0xD;
	s18 =	sshrl.u32 @!p1 s18, $0x3;
	s19 =	sadd.s32 @!p1 s3, s19  }
0x21: {  	s17 =	sshrl.u32 @!p1 s17, $0x3;
	s19 =	sadd.s32 @!p1 s20, s19;
	s20 =	sand.u32 @!p1 $0x7, s8  }
0x22: {  	s18 =	sand.u32 @!p1 $0x1FE0, s18;
	s17 =	sadd.s32 @!p1 s17, s19;
	s19 =	sshll.u32 @!p1 s20, $0x12  }
0x23: {  	s17 =	sadd.s32 @!p1 s18, s17;
	s18 =	sor.u32 @!p1 $0x400, s19;
	s19 =	simm.s32 @!p1 $0x800  }
0x24: {  	[tilespmem:s16], [sflag:$0x1] =	stream.strided.gather @!p1 [hbm4b:s17+s18], $0x4000, s19, s18, $0x38;
	[tilespmem:$0x10000] =	vst v63  }
0x25: {  	p1 =	seq.s32 s7, $0x0  }
0x26: {  	p2 =	seq.s32 @!p1 s7, $0x81  }
0x27: {  	p1 =	por p1, p2  }
.Ltmp2:
0x28: {  	_ = 	snop;
	(pc) =	sbr.rel @p1 .LBB1_5-.Ltmp2, $1  }
0x29: {  	_ =	sdelay $0x3  }
0x2a: {  	s16 =	simm.s32 $0x1  }
0x2b: {  	s16 =	simm.s32 @!p0 $0x0  }
0x2c: {  	s16 =	sshll.u32 s16, $0xE  }
0x2d: {  	s17 =	sor.u32 $0x40, s16  }
0x2e: {  	v1 =	vmov s17;
	_ =	sdelay $0x1  }
0x2f: {  	_ =	swait.ge [sflag:s4], $0x4000  }
0x30: {  	[sflag:s4] =	ssyncset.done $0x0  }
0x31: {  	s18 =	simm.s32 $0x0;
	[sflag:s4] =	ssyncadd.s32 $0xFFFFC000  }
0x32: {  	s16 =	sor.u32 $0x8070, s16;
	v7 =	vld.idx.msk [tilespmem:v1+s18+$0x30 ss:$0x1], $0xffff  }
0x33: {  	v0 =	vmov s16;
	v8 =	vld.idx.msk [tilespmem:v1+s18+$0xFFFFFFC0 ss:$0x1], $0xffff  }
0x34: {  	v6 =	vld.idx.msk [tilespmem:v1+s18+$0xFFFFFFD0 ss:$0x1], $0xffff  }
0x35: {  	v4 =	vld.idx.msk [tilespmem:v1+s18+$0xFFFFFFE0 ss:$0x1], $0xffff  }
0x36: {  	v2 =	vld.idx.msk [tilespmem:v1+s18+$0xFFFFFFF0 ss:$0x1], $0xffff  }
0x37: {  	s31 =	sshll.u32 s7, $0xE;
	v3 =	vld.idx.msk [tilespmem:v1+s18+$0x0 ss:$0x1], $0xffff  }
0x38: {  	s16 =	sand.u32 $0x4000, s31;
	v5 =	vld.idx.msk [tilespmem:v1+s18+$0x10 ss:$0x1], $0xffff;
	[tilespmem:v0+s18+$0x0 ss:$0x1] =	vst.idx.msk $0xffff, v7  }
0x39: {  	s19 =	simm.s32 $0x400;
	s17 =	simm.s32 $0x80;
	s16 =	sor.u32 $0x8000, s16;
	[tilespmem:v0+s18+$0xFFFFFF90 ss:$0x1] =	vst.idx.msk $0xffff, v8;
	v7 =	vld.idx.msk [tilespmem:v1+s18+$0x20 ss:$0x1], $0xffff  }
.LBB1_3:
0x3a: {  	p1 =	sne.s32 s19, $0xFE00;
	v8 =	vld.idx.msk [tilespmem:v1+s17+$0x30 ss:$0x1], $0xffff;
	[tilespmem:v0+s18+$0xFFFFFFA0 ss:$0x1] =	vst.idx.msk $0xffff, v6  }
0x3b: {  	v9 =	vld.idx.msk [tilespmem:v1+s17+$0xFFFFFFC0 ss:$0x1], $0xffff;
	[tilespmem:v0+s18+$0xFFFFFFB0 ss:$0x1] =	vst.idx.msk $0xffff, v4  }
0x3c: {  	v6 =	vld.idx.msk [tilespmem:v1+s17+$0xFFFFFFD0 ss:$0x1], $0xffff;
	[tilespmem:v0+s18+$0xFFFFFFC0 ss:$0x1] =	vst.idx.msk $0xffff, v2  }
.Ltmp3:
0x3d: {  	v4 =	vld.idx.msk [tilespmem:v1+s17+$0xFFFFFFE0 ss:$0x1], $0xffff;
	[tilespmem:v0+s18+$0xFFFFFFD0 ss:$0x1] =	vst.idx.msk $0xffff, v3;
	(pc) =	sbr.rel @p1 .LBB1_3-.Ltmp3, $4  }
0x3e: {  	v2 =	vld.idx.msk [tilespmem:v1+s17+$0xFFFFFFF0 ss:$0x1], $0xffff;
	[tilespmem:v0+s18+$0xFFFFFFE0 ss:$0x1] =	vst.idx.msk $0xffff, v5  }
0x3f: {  	v3 =	vld.idx.msk [tilespmem:v1+s17+$0x0 ss:$0x1], $0xffff;
	[tilespmem:v0+s18+$0xFFFFFFF0 ss:$0x1] =	vst.idx.msk $0xffff, v7;
	s18 =	smov.u32 s17  }
0x40: {  	v5 =	vld.idx.msk [tilespmem:v1+s18+$0x10 ss:$0x1], $0xffff;
	[tilespmem:v0+s18+$0x0 ss:$0x1] =	vst.idx.msk $0xffff, v8  }
0x41: {  	s17 =	sshra.s32 s19, $0x2;
	s19 =	sadd.s32 $0x200, s19;
	[tilespmem:v0+s18+$0xFFFFFF90 ss:$0x1] =	vst.idx.msk $0xffff, v9;
	v7 =	vld.idx.msk [tilespmem:v1+s18+$0x20 ss:$0x1], $0xffff  }
0x42: {  	_ =	sdelay $0x3  }
0x43: {  	[tilespmem:v0+s18+$0xFFFFFFA0 ss:$0x1] =	vst.idx.msk $0xffff, v6  }
0x44: {  	v56 =	vld.idx.msk [tilespmem:v1+s17+$0x30 ss:$0x1], $0xffff;
	[tilespmem:v0+s18+$0xFFFFFFB0 ss:$0x1] =	vst.idx.msk $0xffff, v4  }
0x45: {  	v57 =	vld.idx.msk [tilespmem:v1+s17+$0xFFFFFFC0 ss:$0x1], $0xffff;
	[tilespmem:v0+s18+$0xFFFFFFC0 ss:$0x1] =	vst.idx.msk $0xffff, v2  }
0x46: {  	v58 =	vld.idx.msk [tilespmem:v1+s17+$0xFFFFFFD0 ss:$0x1], $0xffff;
	[tilespmem:v0+s18+$0xFFFFFFD0 ss:$0x1] =	vst.idx.msk $0xffff, v3  }
0x47: {  	v59 =	vld.idx.msk [tilespmem:v1+s17+$0xFFFFFFE0 ss:$0x1], $0xffff;
	[tilespmem:v0+s18+$0xFFFFFFE0 ss:$0x1] =	vst.idx.msk $0xffff, v5  }
0x48: {  	v60 =	vld.idx.msk [tilespmem:v1+s17+$0xFFFFFFF0 ss:$0x1], $0xffff;
	[tilespmem:v0+s18+$0xFFFFFFF0 ss:$0x1] =	vst.idx.msk $0xffff, v7  }
0x49: {  	v61 =	vld.idx.msk [tilespmem:v1+s17+$0x0 ss:$0x1], $0xffff;
	[tilespmem:v0+s17+$0x0 ss:$0x1] =	vst.idx.msk $0xffff, v56  }
0x4a: {  	v62 =	vld.idx.msk [tilespmem:v1+s17+$0x10 ss:$0x1], $0xffff;
	[tilespmem:v0+s17+$0xFFFFFF90 ss:$0x1] =	vst.idx.msk $0xffff, v57  }
0x4b: {  	s15 =	sshll.u32 s15, $0x7;
	v63 =	vld.idx.msk [tilespmem:v1+s17+$0x20 ss:$0x1], $0xffff;
	s29 =	sand.u32 $0x78, s12;
	s30 =	sshll.u32 s12, $0x3;
	[tilespmem:v0+s17+$0xFFFFFFA0 ss:$0x1] =	vst.idx.msk $0xffff, v58  }
0x4c: {  	s14 =	sshll.u32 s14, $0x10;
	s13 =	sshll.u32 s13, $0x8;
	s15 =	sand.u32 $0x380, s15;
	[tilespmem:v0+s17+$0xFFFFFFB0 ss:$0x1] =	vst.idx.msk $0xffff, v59  }
.Ltmp4:
0x4d: {  	s15 =	sor.u32 s29, s15;
	s18 =	sand.u32 $0x400, s30;
	[tilespmem:v0+s17+$0xFFFFFFC0 ss:$0x1] =	vst.idx.msk $0xffff, v60;
	(pc) =	sbr.rel .LBB1_5-.Ltmp4, $4  }
0x4e: {  	s31 =	sand.u32 $0x7, s12;
	s14 =	sadd.s32 s2, s14;
	[tilespmem:v0+s17+$0xFFFFFFD0 ss:$0x1] =	vst.idx.msk $0xffff, v61;
	s15 =	sor.u32 s18, s15  }
0x4f: {  	s12 =	sshll.u32 s31, $0x12;
	s13 =	sadd.s32 s13, s14;
	[tilespmem:v0+s17+$0xFFFFFFE0 ss:$0x1] =	vst.idx.msk $0xffff, v62;
	s15 =	sshrl.u32 s15, $0x3  }
0x50: {  	s12 =	sor.u32 $0x80, s12;
	[tilespmem:v0+s17+$0xFFFFFFF0 ss:$0x1] =	vst.idx.msk $0xffff, v63;
	s13 =	sadd.s32 s15, s13  }
0x51: {  	[hbm4b:s13+s12] =	stream.strided.scatter [tilespmem:s16], [sflag:$0x2], $0x4000, s6, s12, $0x38;
	[tilespmem:$0x10000] =	vst v63  }
.LBB1_6:
0x52: {  	_ =	sfence.sel $0x180000  }
0x53: {  	s2 =	simm.s32 $0x1;
	[bflag:$0x0] =	sbarrier.arrive $0xFFFF  }
0x54: {  	s31 =	simm.s32 $0x2;
	[sflag:s2] =	ssyncpa.u1 $0x1  }
0x55: {  	[sflag:s31] =	ssyncpa.u1 $0x1  }
0x56: {  	p0 =	sne.s32 s1, $0x0;
	_ =	strace $0x90000047  }
0x57: {  	s0 =	sadd.s32 @!p0 $0x100000, s0;
	[bflag:$0x2] =	sbarrier.arrive $0xFFFF  }
0x58: {  	[sflag:s0] =	ssyncadd.tile.s32 @!p0 $0x1;
	_ =	shalt  }
.Lfunc_end1:
_tile_overlayer_lowered:
.L_overlay_start_2:
0x59: {  	(tag) =	ssettag $0x2  }
0x5a: {  	s0 =	rddreg [dreg:$0x0];
	s2 =	stileid.u32  }
0x5b: {  	s1 =	rddreg [dreg:$0x1];
	p0 =	sne.s32 s2, $0x0  }
0x5c: {  	s3 =	rddreg [dreg:$0x2];
	[bflag:$0x3] =	sbarrier.arrive $0xFFFF;
	s2 =	simm.s32 @!p0 $0x1C01  }
0x5d: {  	[timem:s3], [sflag:s2] =	dma.local @!p0 [hbm:s0], s1  }
0x5e: {  	s0 =	simm.s32 @!p0 $0x1  }
0x5f: {  	_ =	swait.ge @!p0 [sflag:s0], s1  }
0x60: {  	s1 =	ssub.s32 @!p0 $0x0, s1;
	[sflag:s0] =	ssyncset.done @!p0 $0x0  }
0x61: {  	[sflag:s0] =	ssyncadd.s32 @!p0 s1  }
0x62: {  	[bflag:$0x3] =	sbarrier.arrive $0xFFFF  }
0x63: {  	_ =	shalt  }

</sc_bundles>
